<compile_context>
chip_gen: v7x
topology: tpu7x:2x2x1
jax: 0.10.2.dev20260603
libtpu: 0.0.44.dev20260713+nightly
codegen_flags: <defaults>
</compile_context>

<pallas_src>
import functools

import jax
import jax.numpy as jnp
from jax import lax
from jax.experimental import pallas as pl
from jax.experimental.pallas import tpu as pltpu
from jax.experimental.pallas import tpu_sc as plsc

_DIM = 64
_R = 8
_SCALING = 2.0
_L = 16
_NB = 32768


def _tc_body(wo_ref, lbt_ref, wt_ref, at_ref, u_ref):
    vb = jnp.dot(wo_ref[...], lbt_ref[...],
                 preferred_element_type=jnp.float32) * _SCALING
    u = jnp.dot(wo_ref[...], wt_ref[...], preferred_element_type=jnp.float32)
    u = u + jnp.dot(vb, at_ref[...], preferred_element_type=jnp.float32)
    u_ref[...] = u


def _sc_body(nc, b_per_w, idx_hbm, u_hbm, bias_hbm, out_hbm,
             idx_v, g_v, bias_v, sem):
    wid = lax.axis_index("s") * nc + lax.axis_index("c")
    n_chunks = b_per_w // 128

    pltpu.sync_copy(idx_hbm.at[wid], idx_v)
    copies = []
    for j in range(n_chunks):
        copies.append(pltpu.async_copy(
            u_hbm.at[idx_v.at[j]], g_v.at[pl.ds(j * 128, 128)], sem))
    pltpu.sync_copy(bias_hbm, bias_v)
    bias = bias_v[...]
    for cp in copies:
        cp.wait()

    def chunk(t, carry):
        z = g_v[pl.ds(t * _L, _L)] + bias
        g_v[pl.ds(t * _L, _L)] = 1.0 / (1.0 + jnp.exp(-z))
        return carry

    lax.fori_loop(0, b_per_w // _L, chunk, 0)
    pltpu.sync_copy(g_v, out_hbm.at[pl.ds(wid * b_per_w, b_per_w)])


def kernel(item_indices, weight, lora_A, lora_B, W_out, b_out):
    batch = item_indices.shape[0]
    num_items = weight.shape[0]
    info = plsc.get_sparse_core_info()
    nc, ns = info.num_cores, info.num_subcores
    nw = nc * ns
    b_per_w = batch // nw
    assert batch % (nw * 128) == 0

    idx3 = item_indices.astype(jnp.int32).reshape(nw, b_per_w // 128, 128)
    wt = weight.T
    at = lora_A.T
    lbt = lora_B.T
    wo = W_out
    bias = jnp.broadcast_to(b_out, (_L,))

    n_blocks = (num_items + _NB - 1) // _NB
    u = pl.pallas_call(
        _tc_body,
        grid=(n_blocks,),
        in_specs=[
            pl.BlockSpec((1, _DIM), lambda c: (0, 0)),
            pl.BlockSpec((_DIM, _R), lambda c: (0, 0)),
            pl.BlockSpec((_DIM, _NB), lambda c: (0, c)),
            pl.BlockSpec((_R, _NB), lambda c: (0, c)),
        ],
        out_specs=pl.BlockSpec((1, _NB), lambda c: (0, c)),
        out_shape=jax.ShapeDtypeStruct((1, num_items), jnp.float32),
    )(wo, lbt, wt, at)
    u = u.reshape(num_items)

    mesh = plsc.VectorSubcoreMesh(core_axis_name="c", subcore_axis_name="s")
    sc_call = functools.partial(
        pl.kernel,
        mesh=mesh,
        out_type=jax.ShapeDtypeStruct((batch,), jnp.float32),
        scratch_types=[
            pltpu.VMEM((b_per_w // 128, 128), jnp.int32),
            pltpu.VMEM((b_per_w,), jnp.float32),
            pltpu.VMEM((_L,), jnp.float32),
            pltpu.SemaphoreType.DMA,
        ],
    )(functools.partial(_sc_body, nc, b_per_w))
    out = sc_call(idx3, u, bias)
    return out.reshape(batch, 1)

# --- scband reference (transcript-rebuilt; emitter-appended) ---
"""Pipeline reference for scband-mlplo-ra-1589137900153 (READ-ONLY COPY).

The authoritative reference and input builder live on the scoring server;
editing this copy changes nothing except your own understanding.
"""

import jax, jax.numpy as jnp
import numpy as np

NUM_ITEMS = 1000000
DIM = 64
R = 8
ALPHA = 16
SCALING = ALPHA / R
BATCH = 16384


def setup_inputs(seed: int = 0) -> dict:
    key = jax.random.key(seed)
    k1, k2, k3, k4, k5 = jax.random.split(key, 5)
    item_indices = jax.random.randint(k1, (BATCH,), 0, NUM_ITEMS)
    weight = jax.random.normal(k2, (NUM_ITEMS, DIM), dtype=jnp.float32) * 0.02
    lora_A = jax.random.normal(k3, (NUM_ITEMS, R), dtype=jnp.float32) * 0.02
    lora_B = jax.random.normal(k4, (R, DIM), dtype=jnp.float32) * 0.02
    W_out = jax.random.normal(k5, (1, DIM), dtype=jnp.float32) * 0.1
    b_out = jnp.zeros((1,), dtype=jnp.float32)
    return {
        "item_indices": item_indices,
        "weight": weight,
        "lora_A": lora_A,
        "lora_B": lora_B,
        "W_out": W_out,
        "b_out": b_out,
    }


def reference(item_indices, weight, lora_A, lora_B, W_out, b_out):
    # LoRA embedding: base lookup + low-rank correction lookup
    item_embedding = jnp.take(weight, item_indices, axis=0)          # [B, DIM]
    after_A = jnp.take(lora_A, item_indices, axis=0)                  # [B, R]
    item_embedding = item_embedding + (after_A @ lora_B) * SCALING    # [B, DIM]
    # affine output head
    logits = item_embedding @ W_out.T + b_out                         # [B, 1]
    rating = jax.nn.sigmoid(logits)
    return rating

if __name__ == "__main__":
    import jax
    _d = setup_inputs()
    print(jax.jit(kernel)(*tuple(_d.values())))

</pallas_src>

<mosaic_0001>
#map = affine_map<(d0, d1) -> (0, 0, 0)>
#map1 = affine_map<(d0, d1) -> (0)>
module attributes {stable_mosaic.version = 14 : i64} {
  func.func @_sc_body(%arg0: i32, %arg1: i32, %arg2: memref<32x4x128xi32, #tpu.memory_space<hbm>>, %arg3: memref<1000000xf32, #tpu.memory_space<hbm>>, %arg4: memref<16xf32, #tpu.memory_space<hbm>>, %arg5: memref<16384xf32, #tpu.memory_space<hbm>>, %arg6: memref<4x128xi32, #tpu.memory_space<vmem>>, %arg7: memref<512xf32, #tpu.memory_space<vmem>>, %arg8: memref<16xf32, #tpu.memory_space<vmem>>, %arg9: memref<!tpu.dma_semaphore, #tpu.memory_space<semaphore_mem>>) attributes {dimension_semantics = [#tpu.dimension_semantics<core_parallel>, #tpu.dimension_semantics<subcore_parallel>], iteration_bounds = array<i64: 2, 16>, scalar_prefetch = 0 : i64, scratch_operands = 4 : i64, tpu.core_type = #tpu.core_type<sc_vector_subcore>, window_params = [{transform_indices = #map}, {transform_indices = #map1}, {transform_indices = #map1}, {transform_indices = #map1}]} {
    %mul3A = arith.constant 2 : i32
    %mul3A_0 = arith.muli %arg1, %mul3A : i32
    %add3A = arith.addi %mul3A_0, %arg0 : i32
    "tpu.region"() ({
      %run_scoped3A = tpu.sem_alloc : memref<!tpu.dma_semaphore, #tpu.memory_space<semaphore_mem>>
      %dma_start3A_72 = arith.constant 0 : i32
      %dma_start3A_73 = arith.constant 0 : i32
      %dma_start3A_74 = tpu.memref_slice %arg2[%add3A, %dma_start3A_72, %dma_start3A_73] : memref<32x4x128xi32, #tpu.memory_space<hbm>> -> memref<1x4x128xi32, #tpu.memory_space<hbm>>
      %dma_start3A_75 = tpu.memref_squeeze %dma_start3A_74 : memref<1x4x128xi32, #tpu.memory_space<hbm>> -> memref<4x128xi32, #tpu.memory_space<hbm>>
      %dma_start3A_76 = arith.constant 0 : i32
      %dma_start3A_77 = arith.constant 0 : i32
      %dma_start3A_78 = tpu.memref_slice %arg2[%add3A, %dma_start3A_76, %dma_start3A_77] : memref<32x4x128xi32, #tpu.memory_space<hbm>> -> memref<1x4x128xi32, #tpu.memory_space<hbm>>
      %dma_start3A_79 = tpu.memref_squeeze %dma_start3A_78 : memref<1x4x128xi32, #tpu.memory_space<hbm>> -> memref<4x128xi32, #tpu.memory_space<hbm>>
      tpu.enqueue_dma source(%dma_start3A_79 : memref<4x128xi32, #tpu.memory_space<hbm>>) target(%arg6 : memref<4x128xi32, #tpu.memory_space<vmem>>) target_semaphore(%run_scoped3A : memref<!tpu.dma_semaphore, #tpu.memory_space<semaphore_mem>>)
      %dma_wait3A_80 = arith.constant 0 : i32
      %dma_wait3A_81 = arith.constant 0 : i32
      %dma_wait3A_82 = tpu.memref_slice %arg2[%add3A, %dma_wait3A_80, %dma_wait3A_81] : memref<32x4x128xi32, #tpu.memory_space<hbm>> -> memref<1x4x128xi32, #tpu.memory_space<hbm>>
      %dma_wait3A_83 = tpu.memref_squeeze %dma_wait3A_82 : memref<1x4x128xi32, #tpu.memory_space<hbm>> -> memref<4x128xi32, #tpu.memory_space<hbm>>
      %dma_wait3A_84 = arith.constant 0 : i32
      %dma_wait3A_85 = arith.constant 0 : i32
      %dma_wait3A_86 = tpu.memref_slice %arg2[%add3A, %dma_wait3A_84, %dma_wait3A_85] : memref<32x4x128xi32, #tpu.memory_space<hbm>> -> memref<1x4x128xi32, #tpu.memory_space<hbm>>
      %dma_wait3A_87 = tpu.memref_squeeze %dma_wait3A_86 : memref<1x4x128xi32, #tpu.memory_space<hbm>> -> memref<4x128xi32, #tpu.memory_space<hbm>>
      tpu.wait_dma2 semaphore(%run_scoped3A : memref<!tpu.dma_semaphore, #tpu.memory_space<semaphore_mem>>) src(%dma_wait3A_87 : memref<4x128xi32, #tpu.memory_space<hbm>>) dst(%arg6 : memref<4x128xi32, #tpu.memory_space<vmem>>)
      tpu.yield
    }) : () -> ()
    %dma_start3A = arith.constant 0 : i32
    %dma_start3A_1 = arith.constant 0 : i32
    %dma_start3A_2 = tpu.memref_slice %arg7[%dma_start3A_1] : memref<512xf32, #tpu.memory_space<vmem>> -> memref<128xf32, #tpu.memory_space<vmem>>
    %dma_start3A_3 = arith.constant 0 : i32
    %dma_start3A_4 = tpu.memref_slice %arg6[%dma_start3A, %dma_start3A_3] : memref<4x128xi32, #tpu.memory_space<vmem>> -> memref<1x128xi32, #tpu.memory_space<vmem>>
    %dma_start3A_5 = tpu.memref_squeeze %dma_start3A_4 : memref<1x128xi32, #tpu.memory_space<vmem>> -> memref<128xi32, #tpu.memory_space<vmem>>
    %dma_start3A_6 = arith.constant 0 : i32
    %dma_start3A_7 = tpu.memref_slice %arg3[%dma_start3A_6] : memref<1000000xf32, #tpu.memory_space<hbm>> -> memref<1000000xf32, #tpu.memory_space<hbm>>
    tpu.enqueue_indirect_dma source(%dma_start3A_7 : memref<1000000xf32, #tpu.memory_space<hbm>>) target(%dma_start3A_2 : memref<128xf32, #tpu.memory_space<vmem>>) offsets(%dma_start3A_5 : memref<128xi32, #tpu.memory_space<vmem>>) semaphore(%arg9 : memref<!tpu.dma_semaphore, #tpu.memory_space<semaphore_mem>>)
    %dma_start3A_8 = arith.constant 1 : i32
    %dma_start3A_9 = arith.constant 128 : i32
    %dma_start3A_10 = tpu.memref_slice %arg7[%dma_start3A_9] : memref<512xf32, #tpu.memory_space<vmem>> -> memref<128xf32, #tpu.memory_space<vmem>>
    %dma_start3A_11 = arith.constant 0 : i32
    %dma_start3A_12 = tpu.memref_slice %arg6[%dma_start3A_8, %dma_start3A_11] : memref<4x128xi32, #tpu.memory_space<vmem>> -> memref<1x128xi32, #tpu.memory_space<vmem>>
    %dma_start3A_13 = tpu.memref_squeeze %dma_start3A_12 : memref<1x128xi32, #tpu.memory_space<vmem>> -> memref<128xi32, #tpu.memory_space<vmem>>
    %dma_start3A_14 = arith.constant 0 : i32
    %dma_start3A_15 = tpu.memref_slice %arg3[%dma_start3A_14] : memref<1000000xf32, #tpu.memory_space<hbm>> -> memref<1000000xf32, #tpu.memory_space<hbm>>
    tpu.enqueue_indirect_dma source(%dma_start3A_15 : memref<1000000xf32, #tpu.memory_space<hbm>>) target(%dma_start3A_10 : memref<128xf32, #tpu.memory_space<vmem>>) offsets(%dma_start3A_13 : memref<128xi32, #tpu.memory_space<vmem>>) semaphore(%arg9 : memref<!tpu.dma_semaphore, #tpu.memory_space<semaphore_mem>>)
    %dma_start3A_16 = arith.constant 2 : i32
    %dma_start3A_17 = arith.constant 256 : i32
    %dma_start3A_18 = tpu.memref_slice %arg7[%dma_start3A_17] : memref<512xf32, #tpu.memory_space<vmem>> -> memref<128xf32, #tpu.memory_space<vmem>>
    %dma_start3A_19 = arith.constant 0 : i32
    %dma_start3A_20 = tpu.memref_slice %arg6[%dma_start3A_16, %dma_start3A_19] : memref<4x128xi32, #tpu.memory_space<vmem>> -> memref<1x128xi32, #tpu.memory_space<vmem>>
    %dma_start3A_21 = tpu.memref_squeeze %dma_start3A_20 : memref<1x128xi32, #tpu.memory_space<vmem>> -> memref<128xi32, #tpu.memory_space<vmem>>
    %dma_start3A_22 = arith.constant 0 : i32
    %dma_start3A_23 = tpu.memref_slice %arg3[%dma_start3A_22] : memref<1000000xf32, #tpu.memory_space<hbm>> -> memref<1000000xf32, #tpu.memory_space<hbm>>
    tpu.enqueue_indirect_dma source(%dma_start3A_23 : memref<1000000xf32, #tpu.memory_space<hbm>>) target(%dma_start3A_18 : memref<128xf32, #tpu.memory_space<vmem>>) offsets(%dma_start3A_21 : memref<128xi32, #tpu.memory_space<vmem>>) semaphore(%arg9 : memref<!tpu.dma_semaphore, #tpu.memory_space<semaphore_mem>>)
    %dma_start3A_24 = arith.constant 3 : i32
    %dma_start3A_25 = arith.constant 384 : i32
    %dma_start3A_26 = tpu.memref_slice %arg7[%dma_start3A_25] : memref<512xf32, #tpu.memory_space<vmem>> -> memref<128xf32, #tpu.memory_space<vmem>>
    %dma_start3A_27 = arith.constant 0 : i32
    %dma_start3A_28 = tpu.memref_slice %arg6[%dma_start3A_24, %dma_start3A_27] : memref<4x128xi32, #tpu.memory_space<vmem>> -> memref<1x128xi32, #tpu.memory_space<vmem>>
    %dma_start3A_29 = tpu.memref_squeeze %dma_start3A_28 : memref<1x128xi32, #tpu.memory_space<vmem>> -> memref<128xi32, #tpu.memory_space<vmem>>
    %dma_start3A_30 = arith.constant 0 : i32
    %dma_start3A_31 = tpu.memref_slice %arg3[%dma_start3A_30] : memref<1000000xf32, #tpu.memory_space<hbm>> -> memref<1000000xf32, #tpu.memory_space<hbm>>
    tpu.enqueue_indirect_dma source(%dma_start3A_31 : memref<1000000xf32, #tpu.memory_space<hbm>>) target(%dma_start3A_26 : memref<128xf32, #tpu.memory_space<vmem>>) offsets(%dma_start3A_29 : memref<128xi32, #tpu.memory_space<vmem>>) semaphore(%arg9 : memref<!tpu.dma_semaphore, #tpu.memory_space<semaphore_mem>>)
    "tpu.region"() ({
      %run_scoped3A = tpu.sem_alloc : memref<!tpu.dma_semaphore, #tpu.memory_space<semaphore_mem>>
      tpu.enqueue_dma source(%arg4 : memref<16xf32, #tpu.memory_space<hbm>>) target(%arg8 : memref<16xf32, #tpu.memory_space<vmem>>) target_semaphore(%run_scoped3A : memref<!tpu.dma_semaphore, #tpu.memory_space<semaphore_mem>>)
      tpu.wait_dma2 semaphore(%run_scoped3A : memref<!tpu.dma_semaphore, #tpu.memory_space<semaphore_mem>>) src(%arg4 : memref<16xf32, #tpu.memory_space<hbm>>) dst(%arg8 : memref<16xf32, #tpu.memory_space<vmem>>)
      tpu.yield
    }) : () -> ()
    %get3A = arith.constant 0 : index
    %get3A_32 = tpu.vector_load %arg8[%get3A] {strides = array<i32>} : memref<16xf32, #tpu.memory_space<vmem>>, vector<16xf32>,
    %get3A_33 = vector.shape_cast %get3A_32 : vector<16xf32> to vector<16xf32>
    %dma_wait3A = arith.constant 0 : i32
    %dma_wait3A_34 = arith.constant 0 : i32
    %dma_wait3A_35 = tpu.memref_slice %arg7[%dma_wait3A_34] : memref<512xf32, #tpu.memory_space<vmem>> -> memref<128xf32, #tpu.memory_space<vmem>>
    %dma_wait3A_36 = arith.constant 0 : i32
    %dma_wait3A_37 = tpu.memref_slice %arg6[%dma_wait3A, %dma_wait3A_36] : memref<4x128xi32, #tpu.memory_space<vmem>> -> memref<1x128xi32, #tpu.memory_space<vmem>>
    %dma_wait3A_38 = tpu.memref_squeeze %dma_wait3A_37 : memref<1x128xi32, #tpu.memory_space<vmem>> -> memref<128xi32, #tpu.memory_space<vmem>>
    %dma_wait3A_39 = arith.constant 0 : i32
    %dma_wait3A_40 = tpu.memref_slice %arg3[%dma_wait3A_39] : memref<1000000xf32, #tpu.memory_space<hbm>> -> memref<1000000xf32, #tpu.memory_space<hbm>>
    tpu.wait_indirect_dma semaphore(%arg9 : memref<!tpu.dma_semaphore, #tpu.memory_space<semaphore_mem>>) src(%dma_wait3A_40 : memref<1000000xf32, #tpu.memory_space<hbm>>) dst(%dma_wait3A_35 : memref<128xf32, #tpu.memory_space<vmem>>)
    %dma_wait3A_41 = arith.constant 1 : i32
    %dma_wait3A_42 = arith.constant 128 : i32
    %dma_wait3A_43 = tpu.memref_slice %arg7[%dma_wait3A_42] : memref<512xf32, #tpu.memory_space<vmem>> -> memref<128xf32, #tpu.memory_space<vmem>>
    %dma_wait3A_44 = arith.constant 0 : i32
    %dma_wait3A_45 = tpu.memref_slice %arg6[%dma_wait3A_41, %dma_wait3A_44] : memref<4x128xi32, #tpu.memory_space<vmem>> -> memref<1x128xi32, #tpu.memory_space<vmem>>
    %dma_wait3A_46 = tpu.memref_squeeze %dma_wait3A_45 : memref<1x128xi32, #tpu.memory_space<vmem>> -> memref<128xi32, #tpu.memory_space<vmem>>
    %dma_wait3A_47 = arith.constant 0 : i32
    %dma_wait3A_48 = tpu.memref_slice %arg3[%dma_wait3A_47] : memref<1000000xf32, #tpu.memory_space<hbm>> -> memref<1000000xf32, #tpu.memory_space<hbm>>
    tpu.wait_indirect_dma semaphore(%arg9 : memref<!tpu.dma_semaphore, #tpu.memory_space<semaphore_mem>>) src(%dma_wait3A_48 : memref<1000000xf32, #tpu.memory_space<hbm>>) dst(%dma_wait3A_43 : memref<128xf32, #tpu.memory_space<vmem>>)
    %dma_wait3A_49 = arith.constant 2 : i32
    %dma_wait3A_50 = arith.constant 256 : i32
    %dma_wait3A_51 = tpu.memref_slice %arg7[%dma_wait3A_50] : memref<512xf32, #tpu.memory_space<vmem>> -> memref<128xf32, #tpu.memory_space<vmem>>
    %dma_wait3A_52 = arith.constant 0 : i32
    %dma_wait3A_53 = tpu.memref_slice %arg6[%dma_wait3A_49, %dma_wait3A_52] : memref<4x128xi32, #tpu.memory_space<vmem>> -> memref<1x128xi32, #tpu.memory_space<vmem>>
    %dma_wait3A_54 = tpu.memref_squeeze %dma_wait3A_53 : memref<1x128xi32, #tpu.memory_space<vmem>> -> memref<128xi32, #tpu.memory_space<vmem>>
    %dma_wait3A_55 = arith.constant 0 : i32
    %dma_wait3A_56 = tpu.memref_slice %arg3[%dma_wait3A_55] : memref<1000000xf32, #tpu.memory_space<hbm>> -> memref<1000000xf32, #tpu.memory_space<hbm>>
    tpu.wait_indirect_dma semaphore(%arg9 : memref<!tpu.dma_semaphore, #tpu.memory_space<semaphore_mem>>) src(%dma_wait3A_56 : memref<1000000xf32, #tpu.memory_space<hbm>>) dst(%dma_wait3A_51 : memref<128xf32, #tpu.memory_space<vmem>>)
    %dma_wait3A_57 = arith.constant 3 : i32
    %dma_wait3A_58 = arith.constant 384 : i32
    %dma_wait3A_59 = tpu.memref_slice %arg7[%dma_wait3A_58] : memref<512xf32, #tpu.memory_space<vmem>> -> memref<128xf32, #tpu.memory_space<vmem>>
    %dma_wait3A_60 = arith.constant 0 : i32
    %dma_wait3A_61 = tpu.memref_slice %arg6[%dma_wait3A_57, %dma_wait3A_60] : memref<4x128xi32, #tpu.memory_space<vmem>> -> memref<1x128xi32, #tpu.memory_space<vmem>>
    %dma_wait3A_62 = tpu.memref_squeeze %dma_wait3A_61 : memref<1x128xi32, #tpu.memory_space<vmem>> -> memref<128xi32, #tpu.memory_space<vmem>>
    %dma_wait3A_63 = arith.constant 0 : i32
    %dma_wait3A_64 = tpu.memref_slice %arg3[%dma_wait3A_63] : memref<1000000xf32, #tpu.memory_space<hbm>> -> memref<1000000xf32, #tpu.memory_space<hbm>>
    tpu.wait_indirect_dma semaphore(%arg9 : memref<!tpu.dma_semaphore, #tpu.memory_space<semaphore_mem>>) src(%dma_wait3A_64 : memref<1000000xf32, #tpu.memory_space<hbm>>) dst(%dma_wait3A_59 : memref<128xf32, #tpu.memory_space<vmem>>)
    %scan3A = arith.constant 0 : i32
    %scan3A_65 = arith.constant 0 : i32
    %scan3A_66 = arith.constant 32 : i32
    %scan3A_67 = arith.addi %scan3A_65, %scan3A_66 : i32
    %scan3A_68 = arith.constant 1 : i32
    scf.for %scan3A_72 = %scan3A_65 to %scan3A_67 step %scan3A_68  : i32 {
      %mul3A_73 = arith.constant 16 : i32
      %mul3A_74 = arith.muli %scan3A_72, %mul3A_73 : i32
      %get3A_75 = arith.index_cast %mul3A_74 : i32 to index
      %get3A_76 = tpu.vector_load %arg7[%get3A_75] {strides = array<i32>} : memref<512xf32, #tpu.memory_space<vmem>>, vector<16xf32>,
      %get3A_77 = vector.shape_cast %get3A_76 : vector<16xf32> to vector<16xf32>
      %add3A_78 = arith.addf %get3A_77, %get3A_33 : vector<16xf32>
      %neg3A = arith.constant 0.000000e+00 : f32
      %neg3A_79 = vector.broadcast %neg3A : f32 to vector<16xf32>
      %neg3A_80 = arith.subf %neg3A_79, %add3A_78 : vector<16xf32>
      %exp3A = math.exp %neg3A_80 : vector<16xf32>
      %add3A_81 = arith.constant 1.000000e+00 : f32
      %add3A_82 = vector.broadcast %add3A_81 : f32 to vector<16xf32>
      %add3A_83 = arith.addf %add3A_82, %exp3A : vector<16xf32>
      %div3A = arith.constant 1.000000e+00 : f32
      %div3A_84 = vector.broadcast %div3A : f32 to vector<16xf32>
      %div3A_85 = arith.divf %div3A_84, %add3A_83 : vector<16xf32>
      %mul3A_86 = arith.constant 16 : i32
      %mul3A_87 = arith.muli %scan3A_72, %mul3A_86 : i32
      %swap3A = arith.index_cast %mul3A_87 : i32 to index
      %swap3A_88 = tpu.vector_load %arg7[%swap3A] {strides = array<i32>} : memref<512xf32, #tpu.memory_space<vmem>>, vector<16xf32>,
      %swap3A_89 = vector.shape_cast %swap3A_88 : vector<16xf32> to vector<16xf32>
      %swap3A_90 = vector.shape_cast %div3A_85 : vector<16xf32> to vector<16xf32>
      tpu.vector_store %arg7[%swap3A], %swap3A_90 {strides = array<i32>} : memref<512xf32, #tpu.memory_space<vmem>>, vector<16xf32>,
    }
    %scan3A_69 = arith.constant 32 : i32
    %mul3A_70 = arith.constant 512 : i32
    %mul3A_71 = arith.muli %add3A, %mul3A_70 : i32
    "tpu.region"() ({
      %run_scoped3A = tpu.sem_alloc : memref<!tpu.dma_semaphore, #tpu.memory_space<semaphore_mem>>
      %dma_start3A_72 = tpu.memref_slice %arg5[%mul3A_71] : memref<16384xf32, #tpu.memory_space<hbm>> -> memref<512xf32, #tpu.memory_space<hbm>>
      %dma_start3A_73 = tpu.memref_slice %arg5[%mul3A_71] : memref<16384xf32, #tpu.memory_space<hbm>> -> memref<512xf32, #tpu.memory_space<hbm>>
      tpu.enqueue_dma source(%arg7 : memref<512xf32, #tpu.memory_space<vmem>>) target(%dma_start3A_73 : memref<512xf32, #tpu.memory_space<hbm>>) target_semaphore(%run_scoped3A : memref<!tpu.dma_semaphore, #tpu.memory_space<semaphore_mem>>)
      %dma_wait3A_74 = tpu.memref_slice %arg5[%mul3A_71] : memref<16384xf32, #tpu.memory_space<hbm>> -> memref<512xf32, #tpu.memory_space<hbm>>
      %dma_wait3A_75 = tpu.memref_slice %arg5[%mul3A_71] : memref<16384xf32, #tpu.memory_space<hbm>> -> memref<512xf32, #tpu.memory_space<hbm>>
      tpu.wait_dma2 semaphore(%run_scoped3A : memref<!tpu.dma_semaphore, #tpu.memory_space<semaphore_mem>>) src(%arg7 : memref<512xf32, #tpu.memory_space<vmem>>) dst(%dma_wait3A_75 : memref<512xf32, #tpu.memory_space<hbm>>)
      tpu.yield
    }) : () -> ()
    return
  }
}

module attributes {stable_mosaic.version = 14 : i64} {
  func.func @_tc_body(%arg0: i32, %arg1: memref<1x64xf32, #tpu.memory_space<vmem>>, %arg2: memref<64x8xf32, #tpu.memory_space<vmem>>, %arg3: memref<64x32768xf32, #tpu.memory_space<vmem>>, %arg4: memref<8x32768xf32, #tpu.memory_space<vmem>>, %arg5: memref<1x32768xf32, #tpu.memory_space<vmem>>) attributes {dimension_semantics = [#tpu.dimension_semantics<arbitrary>], iteration_bounds = array<i64: 31>, scalar_prefetch = 0 : i64, scratch_operands = 0 : i64, tpu.core_type = #tpu.core_type<tc>, window_params = [{pipeline_mode = #tpu.pipeline_mode<synchronous>, transform_indices = @transform_0, window_bounds = array<i64: 1, 64>}, {pipeline_mode = #tpu.pipeline_mode<synchronous>, transform_indices = @transform_1, window_bounds = array<i64: 64, 8>}, {transform_indices = @transform_2, window_bounds = array<i64: 64, 32768>}, {transform_indices = @transform_3, window_bounds = array<i64: 8, 32768>}, {transform_indices = @transform_4, window_bounds = array<i64: 1, 32768>}]} {
    %get3A = arith.constant 0 : index
    %get3A_0 = arith.constant 0 : index
    %get3A_1 = vector.load %arg1[%get3A, %get3A_0] : memref<1x64xf32, #tpu.memory_space<vmem>>, vector<1x64xf32>
    %get3A_2 = arith.constant 0 : index
    %get3A_3 = arith.constant 0 : index
    %get3A_4 = vector.load %arg2[%get3A_2, %get3A_3] : memref<64x8xf32, #tpu.memory_space<vmem>>, vector<64x8xf32>
    %dot_general3A = arith.constant dense<0.000000e+00> : vector<1x8xf32>
    %dot_general3A_5 = tpu.matmul %get3A_1, %get3A_4, %dot_general3A {dimension_numbers = #tpu.dot_dimension_numbers<[1], [0], [0], [1], [0, 0, 1, 1], [], []>, transpose_lhs_hint = false} : vector<1x64xf32>, vector<64x8xf32>, vector<1x8xf32> -> vector<1x8xf32>
    %mul3A = arith.constant 2.000000e+00 : f32
    %mul3A_6 = vector.broadcast %mul3A : f32 to vector<1x8xf32>
    %mul3A_7 = arith.mulf %dot_general3A_5, %mul3A_6 : vector<1x8xf32>
    %get3A_8 = arith.constant 0 : index
    %get3A_9 = arith.constant 0 : index
    %get3A_10 = vector.load %arg1[%get3A_8, %get3A_9] : memref<1x64xf32, #tpu.memory_space<vmem>>, vector<1x64xf32>
    %get3A_11 = arith.constant 0 : index
    %get3A_12 = arith.constant 0 : index
    %get3A_13 = vector.load %arg3[%get3A_11, %get3A_12] : memref<64x32768xf32, #tpu.memory_space<vmem>>, vector<64x32768xf32>
    %dot_general3A_14 = arith.constant dense<0.000000e+00> : vector<1x32768xf32>
    %dot_general3A_15 = tpu.matmul %get3A_10, %get3A_13, %dot_general3A_14 {dimension_numbers = #tpu.dot_dimension_numbers<[1], [0], [0], [1], [0, 0, 1, 1], [], []>, transpose_lhs_hint = false} : vector<1x64xf32>, vector<64x32768xf32>, vector<1x32768xf32> -> vector<1x32768xf32>
    %get3A_16 = arith.constant 0 : index
    %get3A_17 = arith.constant 0 : index
    %get3A_18 = vector.load %arg4[%get3A_16, %get3A_17] : memref<8x32768xf32, #tpu.memory_space<vmem>>, vector<8x32768xf32>
    %dot_general3A_19 = arith.constant dense<0.000000e+00> : vector<1x32768xf32>
    %dot_general3A_20 = tpu.matmul %mul3A_7, %get3A_18, %dot_general3A_19 {dimension_numbers = #tpu.dot_dimension_numbers<[1], [0], [0], [1], [0, 0, 1, 1], [], []>, transpose_lhs_hint = false} : vector<1x8xf32>, vector<8x32768xf32>, vector<1x32768xf32> -> vector<1x32768xf32>
    %add3A = arith.addf %dot_general3A_15, %dot_general3A_20 : vector<1x32768xf32>
    %swap3A = arith.constant 0 : index
    %swap3A_21 = arith.constant 0 : index
    %swap3A_22 = vector.load %arg5[%swap3A, %swap3A_21] : memref<1x32768xf32, #tpu.memory_space<vmem>>, vector<1x32768xf32>
    tpu.vector_store %arg5[%swap3A, %swap3A_21], %add3A {strides = array<i32>} : memref<1x32768xf32, #tpu.memory_space<vmem>>, vector<1x32768xf32>,
    return
  }
  func.func @transform_0(%arg0: i32) -> (i32, i32) {
    %c0_i32 = arith.constant 0 : i32
    %c0_i32_0 = arith.constant 0 : i32
    %c0_i32_1 = arith.constant 0 : i32
    return %c0_i32, %c0_i32_0 : i32, i32
  }
  func.func @transform_1(%arg0: i32) -> (i32, i32) {
    %c0_i32 = arith.constant 0 : i32
    %c0_i32_0 = arith.constant 0 : i32
    %c0_i32_1 = arith.constant 0 : i32
    return %c0_i32, %c0_i32_0 : i32, i32
  }
  func.func @transform_2(%arg0: i32) -> (i32, i32) {
    %c0_i32 = arith.constant 0 : i32
    %c0_i32_0 = arith.constant 0 : i32
    return %c0_i32, %arg0 : i32, i32
  }
  func.func @transform_3(%arg0: i32) -> (i32, i32) {
    %c0_i32 = arith.constant 0 : i32
    %c0_i32_0 = arith.constant 0 : i32
    return %c0_i32, %arg0 : i32, i32
  }
  func.func @transform_4(%arg0: i32) -> (i32, i32) {
    %c0_i32 = arith.constant 0 : i32
    %c0_i32_0 = arith.constant 0 : i32
    return %c0_i32, %arg0 : i32, i32
  }
}

</mosaic_0001>

<sc_bundles>
// kernel: kernel.4.cloned.1.call-start
scs
__scs_entry_jumppad:
0x0: {  	(pc) =	sbr.rel $0x88, $3  }
0x1: {  	(tag) =	ssettag $0x0;
	lr =	simm.s32 $0x1  }
0x2: {  	[smem:$0x3F9B] =	sst lr;
	_ =	strace $0xD0000000  }
0x3: {  	_ = 	snop  }
0x4: {  	_ = 	snop  }
0x5: {  	_ = 	snop  }
0x6: {  	_ = 	snop  }
0x7: {  	_ = 	snop  }
__scs_overlays_trampoline_lowered:
0x8: {  	[smem:$0x3FAA] =	sst s0  }
0x9: {  	[smem:$0x3FAB] =	sst s1  }
0xa: {  	[smem:$0x3FAC] =	sst s2  }
0xb: {  	[smem:$0x3FAD] =	sst s3  }
0xc: {  	[smem:$0x3FAE] =	sst s4  }
0xd: {  	[smem:$0x3FAF] =	sst s5  }
0xe: {  	[smem:$0x3FB0] =	sst s6  }
0xf: {  	[smem:$0x3FB1] =	sst s7  }
0x10: {  	[smem:$0x3FB2] =	sst s8  }
0x11: {  	[smem:$0x3FB3] =	sst s9;
	s0 =	simm.s32 @!p0 $0x0  }
0x12: {  	s1 =	sld [smem:$0x3F99];
	s0 =	simm.s32 @p0 $0x1  }
0x13: {  	[smem:$0x3FB4] =	sst s0;
	s0 =	simm.s32 @!p1 $0x0  }
0x14: {  	s2 =	sld [smem:$0x3F98];
	s0 =	simm.s32 @p1 $0x1  }
0x15: {  	[smem:$0x3FB5] =	sst s0;
	s0 =	simm.s32 @!p2 $0x0  }
0x16: {  	s3 =	sld [smem:$0x3FDB];
	s0 =	simm.s32 @p2 $0x1  }
0x17: {  	s4 =	simm.s32 $0x1BF5;
	[smem:$0x3FB7] =	sst s0  }
0x18: {  	s0 =	sld [smem:$0x3F9A];
	_ =	swait.ge [sflag:s4], $0x0  }
0x19: {  	s7 =	sld [smem:$0x3F9B]  }
0x1a: {  	s8 =	sadd.s32 $0xFFFFE003, lr  }
0x1b: {  	s9 =	sadd.s32 $0xFFFFFEF7, lr;
	s5 =	simm.s32 $0xFFFFFFFF;
	p2 =	slt.u32 s8, $0xFFFFF086  }
0x1c: {  	p1 =	slt.u32 s9, $0xF7A;
	s5 =	simm.s32 @!p2 $0x0  }
0x1d: {  	s5 =	simm.s32 @p1 $0x1;
	p0 =	seq.s32 s7, s2  }
0x1e: {  	s7 =	smul.u32 @!p0 $0xF7A, s2;
	p2 =	seq.s32 @!p0 s5, $0x0  }
0x1f: {  	s9 =	smul.u32 $0xF7A, s1;
	s8 =	simm.s32 @!p0 $0x1BF5;
	p2 =	por !p2, p0  }
0x20: {  	[sflag:s8] =	ssyncset.s32 @!p0 $0xFFFFF086;
	s6 =	sadd.s32 @!p0 s3, s7;
	s7 =	simm.s32 @!p0 $0x108  }
0x21: {  	s3 =	sadd.s32 s3, s9;
	s6 =	sadd.s32 @!p0 $0x88, s6;
	s7 =	simm.s32 @p2 $0x1082  }
0x22: {  	[simem:s7], [sflag:s8] =	dma.local @!p0 [hbm:s6], $0xF7A  }
0x23: {  	s9 =	sor.u32 $0xD0000000, s2;
	s6 =	simm.s32 $0x108;
	_ =	swait.ge @!p0 [sflag:s8], $0x0  }
0x24: {  	s3 =	sadd.s32 $0x88, s3;
	s6 =	simm.s32 @!p1 $0x1082;
	[sflag:s4] =	ssyncset.s32 $0xFFFFF086  }
0x25: {  	[simem:s6], [sflag:s4] =	dma.local [hbm:s3], $0xF7A  }
0x26: {  	[smem:$0x3F9B] =	sst s1;
	(tag) =	ssettag s2;
	_ =	strace s9  }
0x27: {  	s1 =	sld [smem:$0x3FAB]  }
0x28: {  	s2 =	sld [smem:$0x3FAC]  }
0x29: {  	s4 =	sld [smem:$0x3FAE]  }
0x2a: {  	p0 =	seq.s32 s5, $0x0;
	s5 =	sld [smem:$0x3FAF]  }
0x2b: {  	s6 =	sld [smem:$0x3FB0]  }
0x2c: {  	s7 =	sld [smem:$0x3FB1]  }
0x2d: {  	s3 =	simm.s32 $0x108;
	s8 =	sld [smem:$0x3FB2]  }
0x2e: {  	s3 =	simm.s32 @!p0 $0x1082;
	s9 =	sld [smem:$0x3FB3]  }
0x2f: {  	lr =	sadd.s32 s0, s3;
	s0 =	sld [smem:$0x3FAA]  }
0x30: {  	s3 =	sld [smem:$0x3FAD]  }
0x31: {  	[smem:$0x3FB6] =	sst s10  }
0x32: {  	s10 =	sld [smem:$0x3FB4];
	_ =	sdelay $0x3  }
0x33: {  	p0 =	seq.s32 s10, $0x1;
	s10 =	sld [smem:$0x3FB6];
	_ =	sdelay $0x3  }
0x34: {  	[smem:$0x3FB6] =	sst s10  }
0x35: {  	s10 =	sld [smem:$0x3FB5];
	_ =	sdelay $0x3  }
0x36: {  	p1 =	seq.s32 s10, $0x1;
	s10 =	sld [smem:$0x3FB6];
	_ =	sdelay $0x3  }
0x37: {  	[smem:$0x3FB6] =	sst s10  }
0x38: {  	s10 =	sld [smem:$0x3FB7]  }
0x39: {  	_ = 	snop;
	(pc) =	sbr.ind lr, $3  }
0x3a: {  	_ = 	snop  }
0x3b: {  	_ = 	snop  }
0x3c: {  	p2 =	seq.s32 s10, $0x1;
	s10 =	sld [smem:$0x3FB6]  }
0x3d: {  	_ =	shalt  }
0x3e: {  	_ =	shalt  }
0x3f: {  	_ =	shalt  }
0x40: {  	_ =	shalt  }
0x41: {  	_ =	shalt  }
0x42: {  	_ =	shalt  }
0x43: {  	_ =	shalt  }
0x44: {  	_ =	shalt  }
0x45: {  	_ =	shalt  }
0x46: {  	_ =	shalt  }
0x47: {  	_ =	shalt  }
0x48: {  	_ =	shalt  }
0x49: {  	_ =	shalt  }
0x4a: {  	_ =	shalt  }
0x4b: {  	_ =	shalt  }
0x4c: {  	_ =	shalt  }
0x4d: {  	_ =	shalt  }
0x4e: {  	_ =	shalt  }
0x4f: {  	_ =	shalt  }
0x50: {  	_ =	shalt  }
0x51: {  	_ =	shalt  }
0x52: {  	_ =	shalt  }
0x53: {  	_ =	shalt  }
0x54: {  	_ =	shalt  }
0x55: {  	_ =	shalt  }
0x56: {  	_ =	shalt  }
0x57: {  	_ =	shalt  }
0x58: {  	_ =	shalt  }
0x59: {  	_ =	shalt  }
0x5a: {  	_ =	shalt  }
0x5b: {  	_ =	shalt  }
0x5c: {  	_ =	shalt  }
0x5d: {  	_ =	shalt  }
0x5e: {  	_ =	shalt  }
0x5f: {  	_ =	shalt  }
0x60: {  	_ =	shalt  }
0x61: {  	_ =	shalt  }
0x62: {  	_ =	shalt  }
0x63: {  	_ =	shalt  }
0x64: {  	_ =	shalt  }
0x65: {  	_ =	shalt  }
0x66: {  	_ =	shalt  }
0x67: {  	_ =	shalt  }
0x68: {  	_ =	shalt  }
0x69: {  	_ =	shalt  }
0x6a: {  	_ =	shalt  }
0x6b: {  	_ =	shalt  }
0x6c: {  	_ =	shalt  }
0x6d: {  	_ =	shalt  }
0x6e: {  	_ =	shalt  }
0x6f: {  	_ =	shalt  }
0x70: {  	_ =	shalt  }
0x71: {  	_ =	shalt  }
0x72: {  	_ =	shalt  }
0x73: {  	_ =	shalt  }
0x74: {  	_ =	shalt  }
0x75: {  	_ =	shalt  }
0x76: {  	_ =	shalt  }
0x77: {  	_ =	shalt  }
0x78: {  	_ =	shalt  }
0x79: {  	_ =	shalt  }
0x7a: {  	_ =	shalt  }
0x7b: {  	_ =	shalt  }
0x7c: {  	_ =	shalt  }
0x7d: {  	_ =	shalt  }
0x7e: {  	_ =	shalt  }
0x7f: {  	_ =	shalt  }
0x80: {  	_ =	shalt  }
0x81: {  	_ =	shalt  }
0x82: {  	_ =	shalt  }
0x83: {  	_ =	shalt  }
0x84: {  	_ =	shalt  }
0x85: {  	_ =	shalt  }
0x86: {  	_ =	shalt  }
0x87: {  	_ =	shalt  }
.Lfunc_end0:
.L_simem_size_0:
called_computation_lowered:
.L_overlay_start_0:
0x88: {  	s2 =	sld [smem:$0x3FD9]  }
0x89: {  	s3 =	sld [smem:$0x3FFE];
	_ =	sdelay $0x1  }
0x8a: {  	s1 =	srdreg.scid  }
0x8b: {  	s0 =	sand.u32 $0x1, s1  }
0x8c: {  	s17 =	sshll.u32 s0, $0xA;
	s2 =	sadd.s32 s3, s2  }
0x8d: {  	s2 =	sadd.s32 s2, s17  }
0x8e: {  	[smem:$0x3FC2] =	sst s2  }
0x8f: {  	_ = 	snop  }
0x90: {  	s2 =	sld [smem:$0x3FC9]  }
0x91: {  	s18 =	sld [smem:$0x3FD0];
	(tm) =	ssettm $0x1  }
0x92: {  	s4 =	sld [smem:$0x3FFB];
	_ =	sdelay $0x3  }
0x93: {  	_ =	strace s4  }
0x94: {  	s4 =	sld [smem:$0x3FFC];
	_ =	sdelay $0x3  }
0x95: {  	_ =	strace s4  }
0x96: {  	s4 =	sld [smem:$0x3FFD];
	_ =	sdelay $0x3  }
0x97: {  	_ =	strace s4  }
0x98: {  	_ =	strace $0x8FFFFFFF  }
0x99: {  	s19 =	sld [smem:$0x3FDB];
	_ =	sdelay $0x1  }
0x9a: {  	s5 =	simm.s32 $_scs_section_size  }
0x9b: {  	s6 =	simm.s32 $_size__tile_overlayer_lowered;
	s7 =	simm.s32 $_tile_overlayer_lowered  }
0x9c: {  	s22 =	simm.s32 $0x1BFF;
	s21 =	sshll.u32 s7, $0x1;
	s4 =	sadd.s32 s5, s19  }
0x9d: {  	s8 =	simm.s32 $0x0;
	s20 =	sshll.u32 s6, $0x1;
	s6 =	sadd.s32 s21, s4  }
0x9e: {  	[timem:s8], [sflag:s22] =	dma.local [hbm:s6], s20  }
0x9f: {  	_ =	swait.ge [sflag:s22], s20  }
0xa0: {  	s5 =	ssub.s32 $0x0, s20;
	[sflag:s22] =	ssyncset.done $0x0  }
0xa1: {  	[sflag:s22] =	ssyncadd.s32 s5;
	_ =	sdelay $0x1  }
0xa2: {  	s23 =	simm.s32 $0x1B8B  }
0xa3: {  	_ =	swait.ge [sflag:s23], $0x1  }
0xa4: {  	[sflag:s23] =	ssyncset.done $0x0  }
0xa5: {  	s25 =	simm.s32 $0x1B8E;
	s24 =	sld [smem:$0x3FFE];
	[sflag:s23] =	ssyncadd.s32 $0xFFFFFFFF  }
0xa6: {  	s26 =	simm.s32 $execute0_lowered;
	[smem:$0x3FD2] =	sst s25  }
0xa7: {  	s6 =	sshll.u32 s26, $0x1;
	_ =	strace $0x80000046;
	[dreg:$0x1] =	wrdreg $0xFFFFFFFF  }
0xa8: {  	s28 =	simm.s32 $_size_execute0_lowered;
	s4 =	sadd.s32 s4, s6;
	[dreg:$0x0] =	wrdreg $0x0  }
0xa9: {  	s6 =	sshll.u32 s28, $0x1;
	[dreg:$0x2] =	wrdreg s4  }
0xaa: {  	[dreg:$0x3] =	wrdreg s6  }
0xab: {  	[dreg:$0x4] =	wrdreg $0xC0  }
0xac: {  	_ =	task [dreg:s8], $0x5FFFF  }
0xad: {  	[dreg:$0x1] =	wrdreg $0xFFFFFFFF  }
0xae: {  	[dreg:$0x0] =	wrdreg $0x60  }
0xaf: {  	[dreg:$0x2] =	wrdreg s2  }
0xb0: {  	[dreg:$0x3] =	wrdreg s24  }
0xb1: {  	[dreg:$0x4] =	wrdreg s18  }
0xb2: {  	[dreg:$0x5] =	wrdreg $0x9  }
0xb3: {  	_ =	task.clear_ibuf [dreg:s8], $0x6FFFF;
	_ =	strace $0x90000046  }
0xb4: {  	s29 =	simm.s32 $0x9;
	_ =	strace $0x80000048  }
0xb5: {  	_ =	swait.ge [sflag:s29], $0x1  }
0xb6: {  	[sflag:s29] =	ssyncadd.s32 $0xFFFFFFFF  }
0xb7: {  	_ =	strace $0x90000048  }
0xb8: {  	_ =	sfence  }
0xb9: {  	s30 =	sld [smem:$0x0];
	_ =	sdelay $0x2  }
0xba: {  	s31 =	sshll.u32 s1, $0xD;
	s1 =	sshrl.u32 s1, $0x2  }
0xbb: {  	s3 =	sand.u32 $0x4000, s31;
	s1 =	sadd.s32 s1, s30  }
0xbc: {  	s0 =	sor.u32 s3, s0;
	s1 =	sshll.u32 s1, $0x11  }
0xbd: {  	s0 =	sor.u32 s1, s0  }
0xbe: {  	s0 =	sadd.s32 $0x8F2B, s0  }
0xbf: {  	[sflag:s0] =	ssyncadd.remote.s32 $0x1  }
0xc0: {  	_ =	sfence.sel $0xFFFF  }
0xc1: {  	[dreg:$0x0] =	wrdreg $0xFFFFFFFF;
	(pc) =	sbr.abs _section_cstart, $3  }
0xc2: {  	[dreg:$0x1] =	wrdreg $0xFFFFFFFF  }
0xc3: {  	_ =	task.clear_ibuf [dreg:s8], $0x2FFFF;
	_ =	strace $0x9FFFFFFF  }
0xc4: {  	(tm) =	ssettm $0x7FFFFFFF  }
0xc5: {  	_ =	shalt  }
tec
execute0_lowered:
.L_overlay_start_1:
0x0: {  	(tag) =	ssettag $0x1  }
0x1: {  	s5 =	rddreg [dreg:$0x0]  }
0x2: {  	s4 =	rddreg [dreg:$0x1]  }
0x3: {  	s6 =	rddreg [dreg:$0x2]  }
0x4: {  	s0 =	rddreg [dreg:$0x3];
	s1 =	simm.s32 $0x0  }
0x5: {  	s7 =	srdreg.scid;
	s2 =	stileid.u32;
	s11 =	simm.s32 $0x280  }
0x6: {  	s12 =	simm.s32 $0x100;
	s13 =	simm.s32 $0x300;
	s14 =	simm.s32 $0x180  }
0x7: {  	s15 =	simm.s32 $0x380;
	s16 =	simm.s32 $0x400;
	s17 =	simm.s32 $0x1  }
0x8: {  	s18 =	simm.s32 $0x0;
	[smem:$0x7FF] =	sst s1;
	s3 =	sadd.s32 $0x200, s4  }
0x9: {  	s7 =	sand.u32 $0x1, s7;
	s9 =	sshll.u32 s2, $0x7;
	s4 =	sadd.s32 $0x1EC00, s4  }
0xa: {  	_ =	strace $0x80000047;
	s8 =	ssub.s32 $0x2, s7;
	s7 =	sshll.u32 s7, $0x6  }
0xb: {  	s10 =	sshrl.u32 s8, $0x1;
	s7 =	sor.u32 s7, s9;
	s9 =	simm.s32 $0x80  }
0xc: {  	s8 =	ssub.s32 s8, s10;
	s5 =	sadd.s32 s5, s7;
	s6 =	sadd.s32 s6, s7  }
0xd: {  	s10 =	simm.s32 $0x200;
	s7 =	smax.u32 s8, $0x1;
	s8 =	simm.s32 $0x2  }
.LBB2_1:
0xe: {  	[tilespmem:s1], [sflag:$0x2] =	stream.linear.gather [hbm4b:s5+s1], $0x200, $0x38;
	[tilespmem:$0x480] =	vst v63  }
0xf: {  	_ =	swait.ge [sflag:s8], $0x200  }
0x10: {  	[sflag:s8] =	ssyncset.done $0x0  }
0x11: {  	[sflag:s8] =	ssyncadd.s32 $0xFFFFFE00  }
0x12: {  	[tilespmem:s10], [sflag:$0x1] =	stream.indirect.gather [hbm4b:s3+s9], $0x1, s1, s9, $0xb8;
	[tilespmem:$0x480] =	vst v63  }
0x13: {  	_ = 	snop  }
0x14: {  	[tilespmem:s11], [sflag:$0x1] =	stream.indirect.gather [hbm4b:s3+s9], $0x1, s9, s9, $0xb8;
	[tilespmem:$0x480] =	vst v63  }
0x15: {  	_ = 	snop  }
0x16: {  	[tilespmem:s13], [sflag:$0x1] =	stream.indirect.gather [hbm4b:s3+s9], $0x1, s12, s9, $0xb8;
	[tilespmem:$0x480] =	vst v63  }
0x17: {  	_ = 	snop  }
0x18: {  	[tilespmem:s15], [sflag:$0x1] =	stream.indirect.gather [hbm4b:s3+s9], $0x1, s14, s9, $0xb8;
	[tilespmem:$0x480] =	vst v63  }
0x19: {  	_ = 	snop  }
0x1a: {  	[tilespmem:s16], [sflag:$0x2] =	stream.linear.gather [hbm4b:s4+s1], $0x80, $0x38;
	[tilespmem:$0x480] =	vst v63  }
0x1b: {  	_ =	swait.ge [sflag:s8], $0x80  }
0x1c: {  	[sflag:s8] =	ssyncset.done $0x0  }
0x1d: {  	[sflag:s8] =	ssyncadd.s32 $0xFFFFFF80  }
0x1e: {  	v0 =	vld [tilespmem:$0x400];
	_ =	swait.ge [sflag:s17], $0x80  }
0x1f: {  	[sflag:s17] =	ssyncset.done $0x0  }
0x20: {  	[sflag:s17] =	ssyncadd.s32 $0xFFFFFF80  }
0x21: {  	_ =	swait.ge [sflag:s17], $0x80  }
0x22: {  	[sflag:s17] =	ssyncset.done $0x0  }
0x23: {  	[sflag:s17] =	ssyncadd.s32 $0xFFFFFF80  }
0x24: {  	_ =	swait.ge [sflag:s17], $0x80  }
0x25: {  	[sflag:s17] =	ssyncset.done $0x0  }
0x26: {  	[sflag:s17] =	ssyncadd.s32 $0xFFFFFF80  }
0x27: {  	_ =	swait.ge [sflag:s17], $0x80  }
0x28: {  	[sflag:s17] =	ssyncset.done $0x0  }
0x29: {  	s19 =	simm.s32 $0x0;
	s20 =	simm.s32 $0x40;
	[sflag:s17] =	ssyncadd.s32 $0xFFFFFF80  }
.LBB2_2:
0x2a: {  	p0 =	sne.s32 s20, $0x7C0;
	v1 =	vld [tilespmem:s19+$0x200];
	_ =	sdelay $0x4  }
0x2b: {  	v1 =	vadd.f32 v1, v0;
	_ =	sdelay $0x1  }
0x2c: {  	v1 =	vsub.f32 $0.0e+00, v1;
	_ =	sdelay $0x1  }
0x2d: {  	v1 =	vmul.f32 $1.442695020e+00, v1;
	_ =	sdelay $0x1  }
0x2e: {  	(erf) = vpow2.f32 v1;
	_ =	sdelay $0x8  }
0x2f: {  	v1 =	vpop (erf)  }
0x30: {  	v1 =	vadd.f32 $1.000000000e+00, v1;
	_ =	sdelay $0x1  }
0x31: {  	(erf) = vrcp.f32 v1;
	_ =	sdelay $0x5  }
.Ltmp0:
0x32: {  	(pc) =	sbr.rel @p0 .LBB2_2-.Ltmp0, $3  }
0x33: {  	_ =	sdelay $0x1  }
0x34: {  	v1 =	vpop (erf)  }
0x35: {  	[tilespmem:s19+$0x200] =	vst v1;
	s19 =	sshra.s32 s20, $0x2;
	s20 =	sadd.s32 $0x40, s20  }
0x36: {  	v1 =	vld [tilespmem:s19+$0x200];
	_ =	sdelay $0x4  }
0x37: {  	v0 =	vadd.f32 v1, v0;
	_ =	sdelay $0x1  }
0x38: {  	v0 =	vsub.f32 $0.0e+00, v0;
	_ =	sdelay $0x1  }
0x39: {  	v0 =	vmul.f32 $1.442695020e+00, v0;
	_ =	sdelay $0x1  }
0x3a: {  	(erf) = vpow2.f32 v0;
	_ =	sdelay $0x8  }
0x3b: {  	v0 =	vpop (erf)  }
0x3c: {  	v0 =	vadd.f32 $1.000000000e+00, v0;
	_ =	sdelay $0x1  }
0x3d: {  	(erf) = vrcp.f32 v0;
	_ =	sdelay $0x7  }
0x3e: {  	s18 =	sadd.s32 $0x1, s18  }
0x3f: {  	p0 =	sne.s32 s18, s7;
	v0 =	vpop (erf)  }
.Ltmp1:
0x40: {  	[tilespmem:s19+$0x200] =	vst v0;
	(pc) =	sbr.rel @p0 .LBB2_1-.Ltmp1, $4  }
0x41: {  	[hbm4b:s6+s1] =	stream.linear.scatter [tilespmem:s10], [sflag:$0x2], $0x200, $0x38;
	[tilespmem:$0x480] =	vst v63  }
0x42: {  	_ =	swait.ge [sflag:s8], $0x200  }
0x43: {  	[sflag:s8] =	ssyncset.done $0x0  }
0x44: {  	[sflag:s8] =	ssyncadd.s32 $0xFFFFFE00  }
0x45: {  	_ =	sfence.sel $0x180000  }
0x46: {  	[bflag:$0x0] =	sbarrier.arrive $0xFFFF  }
0x47: {  	p0 =	sne.s32 s2, $0x0;
	_ =	strace $0x90000047  }
0x48: {  	s0 =	sadd.s32 @!p0 $0x100000, s0;
	[bflag:$0x2] =	sbarrier.arrive $0xFFFF  }
0x49: {  	[sflag:s0] =	ssyncadd.tile.s32 @!p0 $0x1;
	_ =	shalt  }
.Lfunc_end2:
_tile_overlayer_lowered:
.L_overlay_start_2:
0x4a: {  	(tag) =	ssettag $0x2  }
0x4b: {  	s0 =	rddreg [dreg:$0x0];
	s2 =	stileid.u32  }
0x4c: {  	s1 =	rddreg [dreg:$0x1];
	p0 =	sne.s32 s2, $0x0  }
0x4d: {  	s3 =	rddreg [dreg:$0x2];
	[bflag:$0x3] =	sbarrier.arrive $0xFFFF;
	s2 =	simm.s32 @!p0 $0x1C02  }
0x4e: {  	[timem:s3], [sflag:s2] =	dma.local @!p0 [hbm:s0], s1  }
0x4f: {  	s0 =	simm.s32 @!p0 $0x2  }
0x50: {  	_ =	swait.ge @!p0 [sflag:s0], s1  }
0x51: {  	s1 =	ssub.s32 @!p0 $0x0, s1;
	[sflag:s0] =	ssyncset.done @!p0 $0x0  }
0x52: {  	[sflag:s0] =	ssyncadd.s32 @!p0 s1  }
0x53: {  	[bflag:$0x3] =	sbarrier.arrive $0xFFFF  }
0x54: {  	_ =	shalt  }

</sc_bundles>
